<compile_context>
chip_gen: v7x
topology: tpu7x:2x2x1
jax: 0.10.2.dev20260603
libtpu: 0.0.44.dev20260713+nightly
codegen_flags: <defaults>
</compile_context>

<pallas_src>
import functools

import jax
import jax.numpy as jnp
from jax import lax
from jax.experimental import pallas as pl
from jax.experimental.pallas import tpu as pltpu
from jax.experimental.pallas import tpu_sc as plsc

Q = 1024
D = 128
N = 100000
BN = 4000
NBLK = N // BN
T = BN // 8
TT = T // 2


def _merge_tiesafe(rv, ri, cv, ci):
    take = (cv > rv) | ((cv == rv) & (ci < ri))
    return jnp.where(take, cv, rv), jnp.where(take, ci, ri)


def _argmax_body(q_ref, k_ref, idx_ref, bestv_ref, besti_ref):
    j = pl.program_id(0)

    @pl.when(j == 0)
    def _init():
        bestv_ref[...] = jnp.full_like(bestv_ref, -jnp.inf)
        besti_ref[...] = jnp.zeros_like(besti_ref)

    kb = k_ref[...]
    kn2 = jnp.sum(kb * kb, axis=1, keepdims=True)
    inv = jnp.where(kn2 > 0, 1.0 / jnp.sqrt(kn2), 0.0)
    dots = lax.dot_general(
        kb, q_ref[...],
        dimension_numbers=(((1,), (1,)), ((), ())),
        preferred_element_type=jnp.float32,
        precision=lax.Precision.DEFAULT,
    )
    sims = dots * inv

    pairs = sims.reshape(TT, 2, 8, Q)
    a = pairs[:, 0]
    b = pairs[:, 1]
    gt = b > a
    tidx = lax.broadcasted_iota(jnp.int32, (TT, 8, Q), 0) * 2
    idx = jnp.where(gt, tidx + 1, tidx)
    val = jnp.maximum(a, b)
    carries = []
    t = TT
    while t > 1:
        if t % 2:
            carries.append((val[t - 1 :], idx[t - 1 :]))
            val, idx = val[: t - 1], idx[: t - 1]
            t -= 1
        vp = val.reshape(t // 2, 2, 8, Q)
        ip = idx.reshape(t // 2, 2, 8, Q)
        av, ai = vp[:, 0], ip[:, 0]
        bv, bi = vp[:, 1], ip[:, 1]
        gt = bv > av
        val = jnp.maximum(av, bv)
        idx = jnp.where(gt, bi, ai)
        t //= 2
    rv, ri = val[0], idx[0]
    for cv, ci in reversed(carries):
        rv, ri = _merge_tiesafe(rv, ri, cv[0], ci[0])

    better = rv > bestv_ref[...]
    bestv_ref[...] = jnp.where(better, rv, bestv_ref[...])
    besti_ref[...] = jnp.where(better, ri + j * T, besti_ref[...])

    @pl.when(j == NBLK - 1)
    def _done():
        bv = bestv_ref[...]
        rows = besti_ref[...] * 8 + lax.broadcasted_iota(jnp.int32, (8, Q), 0)
        m = jnp.max(bv, axis=0, keepdims=True)
        cand = jnp.where(bv == m, rows, jnp.int32(0x7FFFFFFF))
        idx_ref[...] = jnp.min(cand, axis=0)


def _argmax_call(query, keys):
    return pl.pallas_call(
        _argmax_body,
        grid=(NBLK,),
        in_specs=[
            pl.BlockSpec((Q, D), lambda j: (0, 0)),
            pl.BlockSpec((BN, D), lambda j: (j, 0)),
        ],
        out_specs=pl.BlockSpec((Q,), lambda j: (0,)),
        out_shape=jax.ShapeDtypeStruct((Q,), jnp.int32),
        scratch_shapes=[
            pltpu.VMEM((8, Q), jnp.float32),
            pltpu.VMEM((8, Q), jnp.int32),
        ],
        compiler_params=pltpu.CompilerParams(
            dimension_semantics=("arbitrary",),
        ),
    )(query, keys)


_NC = 2
_NS = 16
_NW = _NC * _NS
_BPW = Q // _NW


@functools.lru_cache(maxsize=1)
def _make_gather_rows():
    @functools.partial(
        pl.kernel,
        mesh=plsc.VectorSubcoreMesh(
            core_axis_name="c", subcore_axis_name="s",
            num_cores=_NC, num_subcores=_NS),
        out_type=jax.ShapeDtypeStruct((Q, D), jnp.float32),
        scratch_types=[
            pltpu.VMEM((_BPW,), jnp.int32),
            pltpu.VMEM((_BPW, D), jnp.float32),
            pltpu.SemaphoreType.DMA,
        ],
    )
    def _gather_rows(values_hbm, idx_hbm, out_hbm, idx_v, rows_v, sem):
        wid = lax.axis_index("s") * _NC + lax.axis_index("c")
        base = wid * _BPW
        pltpu.sync_copy(idx_hbm.at[pl.ds(base, _BPW)], idx_v)
        pltpu.async_copy(values_hbm.at[idx_v], rows_v, sem).wait()
        pltpu.sync_copy(rows_v, out_hbm.at[pl.ds(base, _BPW)])

    return _gather_rows


def kernel(query, keys, values):
    idx = _argmax_call(query, keys)
    return _make_gather_rows()(values, idx)

# --- scband reference (transcript-rebuilt; emitter-appended) ---
"""Pipeline reference for scband-semantic-memory-56392920596661 (READ-ONLY COPY).

The authoritative reference and input builder live on the scoring server;
editing this copy changes nothing except your own understanding.
"""

import jax, jax.numpy as jnp
import numpy as np

def setup_inputs(seed: int = 0) -> dict:
    key = jax.random.key(seed)
    k1, k2, k3 = jax.random.split(key, 3)
    query = jax.random.normal(k1, (1024, 128), dtype=jnp.float32)
    keys = jax.random.normal(k2, (100000, 128), dtype=jnp.float32)
    values = jax.random.normal(k3, (100000, 128), dtype=jnp.float32)
    return {"query": query, "keys": keys, "values": values}

def reference(query, keys, values):
    # Batched version of SemanticMemory.retrieve:
    # sims[i, j] = cosine_similarity(query[i], keys[j]) with torch's eps=1e-8 clamp
    qn = jnp.linalg.norm(query, axis=1)
    kn = jnp.linalg.norm(keys, axis=1)
    dots = query @ keys.T
    denom = jnp.maximum(qn[:, None] * kn[None, :], 1e-8)
    sims = dots / denom
    idx = jnp.argmax(sims, axis=1)
    out = jnp.take(values, idx, axis=0)
    return out

if __name__ == "__main__":
    import jax
    _d = setup_inputs()
    print(jax.jit(kernel)(*tuple(_d.values())))

</pallas_src>

<mosaic_0001>
#map = affine_map<(d0, d1) -> (0, 0)>
#map1 = affine_map<(d0, d1) -> (0)>
module attributes {stable_mosaic.version = 14 : i64} {
  func.func @_gather_rows(%arg0: i32, %arg1: i32, %arg2: memref<100000x128xf32, #tpu.memory_space<hbm>>, %arg3: memref<1024xi32, #tpu.memory_space<hbm>>, %arg4: memref<1024x128xf32, #tpu.memory_space<hbm>>, %arg5: memref<32xi32, #tpu.memory_space<vmem>>, %arg6: memref<32x128xf32, #tpu.memory_space<vmem>>, %arg7: memref<!tpu.dma_semaphore, #tpu.memory_space<semaphore_mem>>) attributes {dimension_semantics = [#tpu.dimension_semantics<core_parallel>, #tpu.dimension_semantics<subcore_parallel>], iteration_bounds = array<i64: 2, 16>, scalar_prefetch = 0 : i64, scratch_operands = 3 : i64, tpu.core_type = #tpu.core_type<sc_vector_subcore>, window_params = [{transform_indices = #map}, {transform_indices = #map1}, {transform_indices = #map}]} {
    %mul3A = arith.constant 2 : i32
    %mul3A_0 = arith.muli %arg1, %mul3A : i32
    %add3A = arith.addi %mul3A_0, %arg0 : i32
    %mul3A_1 = arith.constant 32 : i32
    %mul3A_2 = arith.muli %add3A, %mul3A_1 : i32
    "tpu.region"() ({
      %run_scoped3A = tpu.sem_alloc : memref<!tpu.dma_semaphore, #tpu.memory_space<semaphore_mem>>
      %dma_start3A_7 = tpu.memref_slice %arg3[%mul3A_2] : memref<1024xi32, #tpu.memory_space<hbm>> -> memref<32xi32, #tpu.memory_space<hbm>>
      %dma_start3A_8 = tpu.memref_slice %arg3[%mul3A_2] : memref<1024xi32, #tpu.memory_space<hbm>> -> memref<32xi32, #tpu.memory_space<hbm>>
      tpu.enqueue_dma source(%dma_start3A_8 : memref<32xi32, #tpu.memory_space<hbm>>) target(%arg5 : memref<32xi32, #tpu.memory_space<vmem>>) target_semaphore(%run_scoped3A : memref<!tpu.dma_semaphore, #tpu.memory_space<semaphore_mem>>)
      %dma_wait3A_9 = tpu.memref_slice %arg3[%mul3A_2] : memref<1024xi32, #tpu.memory_space<hbm>> -> memref<32xi32, #tpu.memory_space<hbm>>
      %dma_wait3A_10 = tpu.memref_slice %arg3[%mul3A_2] : memref<1024xi32, #tpu.memory_space<hbm>> -> memref<32xi32, #tpu.memory_space<hbm>>
      tpu.wait_dma2 semaphore(%run_scoped3A : memref<!tpu.dma_semaphore, #tpu.memory_space<semaphore_mem>>) src(%dma_wait3A_10 : memref<32xi32, #tpu.memory_space<hbm>>) dst(%arg5 : memref<32xi32, #tpu.memory_space<vmem>>)
      tpu.yield
    }) : () -> ()
    %dma_start3A = arith.constant 0 : i32
    %dma_start3A_3 = arith.constant 0 : i32
    %dma_start3A_4 = tpu.memref_slice %arg2[%dma_start3A, %dma_start3A_3] : memref<100000x128xf32, #tpu.memory_space<hbm>> -> memref<100000x128xf32, #tpu.memory_space<hbm>>
    tpu.enqueue_indirect_dma source(%dma_start3A_4 : memref<100000x128xf32, #tpu.memory_space<hbm>>) target(%arg6 : memref<32x128xf32, #tpu.memory_space<vmem>>) offsets(%arg5 : memref<32xi32, #tpu.memory_space<vmem>>) semaphore(%arg7 : memref<!tpu.dma_semaphore, #tpu.memory_space<semaphore_mem>>)
    %dma_wait3A = arith.constant 0 : i32
    %dma_wait3A_5 = arith.constant 0 : i32
    %dma_wait3A_6 = tpu.memref_slice %arg2[%dma_wait3A, %dma_wait3A_5] : memref<100000x128xf32, #tpu.memory_space<hbm>> -> memref<100000x128xf32, #tpu.memory_space<hbm>>
    tpu.wait_indirect_dma semaphore(%arg7 : memref<!tpu.dma_semaphore, #tpu.memory_space<semaphore_mem>>) src(%dma_wait3A_6 : memref<100000x128xf32, #tpu.memory_space<hbm>>) dst(%arg6 : memref<32x128xf32, #tpu.memory_space<vmem>>)
    "tpu.region"() ({
      %run_scoped3A = tpu.sem_alloc : memref<!tpu.dma_semaphore, #tpu.memory_space<semaphore_mem>>
      %dma_start3A_7 = arith.constant 0 : i32
      %dma_start3A_8 = tpu.memref_slice %arg4[%mul3A_2, %dma_start3A_7] : memref<1024x128xf32, #tpu.memory_space<hbm>> -> memref<32x128xf32, #tpu.memory_space<hbm>>
      %dma_start3A_9 = arith.constant 0 : i32
      %dma_start3A_10 = tpu.memref_slice %arg4[%mul3A_2, %dma_start3A_9] : memref<1024x128xf32, #tpu.memory_space<hbm>> -> memref<32x128xf32, #tpu.memory_space<hbm>>
      tpu.enqueue_dma source(%arg6 : memref<32x128xf32, #tpu.memory_space<vmem>>) target(%dma_start3A_10 : memref<32x128xf32, #tpu.memory_space<hbm>>) target_semaphore(%run_scoped3A : memref<!tpu.dma_semaphore, #tpu.memory_space<semaphore_mem>>)
      %dma_wait3A_11 = arith.constant 0 : i32
      %dma_wait3A_12 = tpu.memref_slice %arg4[%mul3A_2, %dma_wait3A_11] : memref<1024x128xf32, #tpu.memory_space<hbm>> -> memref<32x128xf32, #tpu.memory_space<hbm>>
      %dma_wait3A_13 = arith.constant 0 : i32
      %dma_wait3A_14 = tpu.memref_slice %arg4[%mul3A_2, %dma_wait3A_13] : memref<1024x128xf32, #tpu.memory_space<hbm>> -> memref<32x128xf32, #tpu.memory_space<hbm>>
      tpu.wait_dma2 semaphore(%run_scoped3A : memref<!tpu.dma_semaphore, #tpu.memory_space<semaphore_mem>>) src(%arg6 : memref<32x128xf32, #tpu.memory_space<vmem>>) dst(%dma_wait3A_14 : memref<32x128xf32, #tpu.memory_space<hbm>>)
      tpu.yield
    }) : () -> ()
    return
  }
}

module attributes {stable_mosaic.version = 14 : i64} {
  func.func @_argmax_body(%arg0: i32, %arg1: memref<1024x128xf32, #tpu.memory_space<vmem>>, %arg2: memref<4000x128xf32, #tpu.memory_space<vmem>>, %arg3: memref<1024xi32, #tpu.memory_space<vmem>>, %arg4: memref<8x1024xf32, #tpu.memory_space<vmem>>, %arg5: memref<8x1024xi32, #tpu.memory_space<vmem>>) attributes {dimension_semantics = [#tpu.dimension_semantics<arbitrary>], iteration_bounds = array<i64: 25>, scalar_prefetch = 0 : i64, scratch_operands = 2 : i64, tpu.core_type = #tpu.core_type<tc>, window_params = [{pipeline_mode = #tpu.pipeline_mode<synchronous>, transform_indices = @transform_0, window_bounds = array<i64: 1024, 128>}, {transform_indices = @transform_1, window_bounds = array<i64: 4000, 128>}, {pipeline_mode = #tpu.pipeline_mode<synchronous>, transform_indices = @transform_2, window_bounds = array<i64: 1024>}]} {
    %eq3A = arith.constant 0 : i32
    %eq3A_0 = arith.cmpi eq, %arg0, %eq3A : i32
    %convert_element_type3A = arith.extui %eq3A_0 : i1 to i32
    %cond3A = arith.constant 0 : i32
    %cond3A_1 = arith.cmpi ne, %convert_element_type3A, %cond3A : i32
    scf.if %cond3A_1 {
      %broadcast_in_dim3A_206 = arith.constant 0xFF800000 : f32
      %broadcast_in_dim3A_207 = vector.broadcast %broadcast_in_dim3A_206 : f32 to vector<8x1024xf32>
      %swap3A_208 = arith.constant 0 : index
      %swap3A_209 = arith.constant 0 : index
      %swap3A_210 = vector.load %arg4[%swap3A_208, %swap3A_209] : memref<8x1024xf32, #tpu.memory_space<vmem>>, vector<8x1024xf32>
      tpu.vector_store %arg4[%swap3A_208, %swap3A_209], %broadcast_in_dim3A_207 {strides = array<i32>} : memref<8x1024xf32, #tpu.memory_space<vmem>>, vector<8x1024xf32>,
      %broadcast_in_dim3A_211 = arith.constant 0 : i32
      %broadcast_in_dim3A_212 = vector.broadcast %broadcast_in_dim3A_211 : i32 to vector<8x1024xi32>
      %swap3A_213 = arith.constant 0 : index
      %swap3A_214 = arith.constant 0 : index
      %swap3A_215 = vector.load %arg5[%swap3A_213, %swap3A_214] : memref<8x1024xi32, #tpu.memory_space<vmem>>, vector<8x1024xi32>
      tpu.vector_store %arg5[%swap3A_213, %swap3A_214], %broadcast_in_dim3A_212 {strides = array<i32>} : memref<8x1024xi32, #tpu.memory_space<vmem>>, vector<8x1024xi32>,
    } else {
    }
    %get3A = arith.constant 0 : index
    %get3A_2 = arith.constant 0 : index
    %get3A_3 = vector.load %arg2[%get3A, %get3A_2] : memref<4000x128xf32, #tpu.memory_space<vmem>>, vector<4000x128xf32>
    %mul3A = arith.mulf %get3A_3, %get3A_3 : vector<4000x128xf32>
    %reduce_sum3A = arith.constant dense<0.000000e+00> : vector<4000xf32>
    %reduce_sum3A_4 = vector.multi_reduction <add>, %mul3A, %reduce_sum3A [1] : vector<4000x128xf32> to vector<4000xf32>
    %broadcast_in_dim3A = vector.shape_cast %reduce_sum3A_4 : vector<4000xf32> to vector<4000x1xf32>
    %gt3A = arith.constant 0.000000e+00 : f32
    %gt3A_5 = vector.broadcast %gt3A : f32 to vector<4000x1xf32>
    %gt3A_6 = arith.cmpf ogt, %broadcast_in_dim3A, %gt3A_5 : vector<4000x1xf32>
    %sqrt3A = math.sqrt %broadcast_in_dim3A : vector<4000x1xf32>
    %div3A = arith.constant 1.000000e+00 : f32
    %div3A_7 = vector.broadcast %div3A : f32 to vector<4000x1xf32>
    %div3A_8 = arith.divf %div3A_7, %sqrt3A : vector<4000x1xf32>
    %jit3A = arith.constant 0.000000e+00 : f32
    %broadcast_in_dim3A_9 = vector.broadcast %jit3A : f32 to vector<4000x1xf32>
    %select_n3A = arith.select %gt3A_6, %div3A_8, %broadcast_in_dim3A_9 : vector<4000x1xi1>, vector<4000x1xf32>
    %get3A_10 = arith.constant 0 : index
    %get3A_11 = arith.constant 0 : index
    %get3A_12 = vector.load %arg1[%get3A_10, %get3A_11] : memref<1024x128xf32, #tpu.memory_space<vmem>>, vector<1024x128xf32>
    %dot_general3A = arith.constant dense<0.000000e+00> : vector<4000x1024xf32>
    %dot_general3A_13 = tpu.matmul %get3A_3, %get3A_12, %dot_general3A {dimension_numbers = #tpu.dot_dimension_numbers<[1], [1], [0], [0], [0, 0, 1, 0], [], []>, transpose_lhs_hint = false} : vector<4000x128xf32>, vector<1024x128xf32>, vector<4000x1024xf32> -> vector<4000x1024xf32>
    %mul3A_14 = vector.broadcast %select_n3A : vector<4000x1xf32> to vector<4000x1024xf32>
    %mul3A_15 = arith.mulf %dot_general3A_13, %mul3A_14 : vector<4000x1024xf32>
    %reshape3A = vector.shape_cast %mul3A_15 : vector<4000x1024xf32> to vector<250x2x8x1024xf32>
    %slice3A = vector.extract_strided_slice %reshape3A {offsets = [0, 0, 0, 0], sizes = [250, 1, 8, 1024], strides = [1, 1, 1, 1]} : vector<250x2x8x1024xf32> to vector<250x1x8x1024xf32>
    %squeeze3A = vector.shape_cast %slice3A : vector<250x1x8x1024xf32> to vector<250x8x1024xf32>
    %slice3A_16 = vector.extract_strided_slice %reshape3A {offsets = [0, 1, 0, 0], sizes = [250, 1, 8, 1024], strides = [1, 1, 1, 1]} : vector<250x2x8x1024xf32> to vector<250x1x8x1024xf32>
    %squeeze3A_17 = vector.shape_cast %slice3A_16 : vector<250x1x8x1024xf32> to vector<250x8x1024xf32>
    %gt3A_18 = arith.cmpf ogt, %squeeze3A_17, %squeeze3A : vector<250x8x1024xf32>
    %iota3A = tpu.iota {dimensions = array<i32: 0>} : vector<250x8x1024xi32>
    %mul3A_19 = arith.constant 2 : i32
    %mul3A_20 = vector.broadcast %mul3A_19 : i32 to vector<250x8x1024xi32>
    %mul3A_21 = arith.muli %iota3A, %mul3A_20 : vector<250x8x1024xi32>
    %add3A = arith.constant 1 : i32
    %add3A_22 = vector.broadcast %add3A : i32 to vector<250x8x1024xi32>
    %add3A_23 = arith.addi %mul3A_21, %add3A_22 : vector<250x8x1024xi32>
    %select_n3A_24 = arith.select %gt3A_18, %add3A_23, %mul3A_21 : vector<250x8x1024xi1>, vector<250x8x1024xi32>
    %max3A = arith.maximumf %squeeze3A, %squeeze3A_17 : vector<250x8x1024xf32>
    %reshape3A_25 = vector.shape_cast %max3A : vector<250x8x1024xf32> to vector<125x2x8x1024xf32>
    %reshape3A_26 = vector.shape_cast %select_n3A_24 : vector<250x8x1024xi32> to vector<125x2x8x1024xi32>
    %slice3A_27 = vector.extract_strided_slice %reshape3A_25 {offsets = [0, 0, 0, 0], sizes = [125, 1, 8, 1024], strides = [1, 1, 1, 1]} : vector<125x2x8x1024xf32> to vector<125x1x8x1024xf32>
    %squeeze3A_28 = vector.shape_cast %slice3A_27 : vector<125x1x8x1024xf32> to vector<125x8x1024xf32>
    %slice3A_29 = vector.extract_strided_slice %reshape3A_26 {offsets = [0, 0, 0, 0], sizes = [125, 1, 8, 1024], strides = [1, 1, 1, 1]} : vector<125x2x8x1024xi32> to vector<125x1x8x1024xi32>
    %squeeze3A_30 = vector.shape_cast %slice3A_29 : vector<125x1x8x1024xi32> to vector<125x8x1024xi32>
    %slice3A_31 = vector.extract_strided_slice %reshape3A_25 {offsets = [0, 1, 0, 0], sizes = [125, 1, 8, 1024], strides = [1, 1, 1, 1]} : vector<125x2x8x1024xf32> to vector<125x1x8x1024xf32>
    %squeeze3A_32 = vector.shape_cast %slice3A_31 : vector<125x1x8x1024xf32> to vector<125x8x1024xf32>
    %slice3A_33 = vector.extract_strided_slice %reshape3A_26 {offsets = [0, 1, 0, 0], sizes = [125, 1, 8, 1024], strides = [1, 1, 1, 1]} : vector<125x2x8x1024xi32> to vector<125x1x8x1024xi32>
    %squeeze3A_34 = vector.shape_cast %slice3A_33 : vector<125x1x8x1024xi32> to vector<125x8x1024xi32>
    %gt3A_35 = arith.cmpf ogt, %squeeze3A_32, %squeeze3A_28 : vector<125x8x1024xf32>
    %max3A_36 = arith.maximumf %squeeze3A_28, %squeeze3A_32 : vector<125x8x1024xf32>
    %select_n3A_37 = arith.select %gt3A_35, %squeeze3A_34, %squeeze3A_30 : vector<125x8x1024xi1>, vector<125x8x1024xi32>
    %slice3A_38 = vector.extract_strided_slice %max3A_36 {offsets = [124, 0, 0], sizes = [1, 8, 1024], strides = [1, 1, 1]} : vector<125x8x1024xf32> to vector<1x8x1024xf32>
    %slice3A_39 = vector.extract_strided_slice %select_n3A_37 {offsets = [124, 0, 0], sizes = [1, 8, 1024], strides = [1, 1, 1]} : vector<125x8x1024xi32> to vector<1x8x1024xi32>
    %slice3A_40 = vector.extract_strided_slice %max3A_36 {offsets = [0, 0, 0], sizes = [124, 8, 1024], strides = [1, 1, 1]} : vector<125x8x1024xf32> to vector<124x8x1024xf32>
    %slice3A_41 = vector.extract_strided_slice %select_n3A_37 {offsets = [0, 0, 0], sizes = [124, 8, 1024], strides = [1, 1, 1]} : vector<125x8x1024xi32> to vector<124x8x1024xi32>
    %reshape3A_42 = vector.shape_cast %slice3A_40 : vector<124x8x1024xf32> to vector<62x2x8x1024xf32>
    %reshape3A_43 = vector.shape_cast %slice3A_41 : vector<124x8x1024xi32> to vector<62x2x8x1024xi32>
    %slice3A_44 = vector.extract_strided_slice %reshape3A_42 {offsets = [0, 0, 0, 0], sizes = [62, 1, 8, 1024], strides = [1, 1, 1, 1]} : vector<62x2x8x1024xf32> to vector<62x1x8x1024xf32>
    %squeeze3A_45 = vector.shape_cast %slice3A_44 : vector<62x1x8x1024xf32> to vector<62x8x1024xf32>
    %slice3A_46 = vector.extract_strided_slice %reshape3A_43 {offsets = [0, 0, 0, 0], sizes = [62, 1, 8, 1024], strides = [1, 1, 1, 1]} : vector<62x2x8x1024xi32> to vector<62x1x8x1024xi32>
    %squeeze3A_47 = vector.shape_cast %slice3A_46 : vector<62x1x8x1024xi32> to vector<62x8x1024xi32>
    %slice3A_48 = vector.extract_strided_slice %reshape3A_42 {offsets = [0, 1, 0, 0], sizes = [62, 1, 8, 1024], strides = [1, 1, 1, 1]} : vector<62x2x8x1024xf32> to vector<62x1x8x1024xf32>
    %squeeze3A_49 = vector.shape_cast %slice3A_48 : vector<62x1x8x1024xf32> to vector<62x8x1024xf32>
    %slice3A_50 = vector.extract_strided_slice %reshape3A_43 {offsets = [0, 1, 0, 0], sizes = [62, 1, 8, 1024], strides = [1, 1, 1, 1]} : vector<62x2x8x1024xi32> to vector<62x1x8x1024xi32>
    %squeeze3A_51 = vector.shape_cast %slice3A_50 : vector<62x1x8x1024xi32> to vector<62x8x1024xi32>
    %gt3A_52 = arith.cmpf ogt, %squeeze3A_49, %squeeze3A_45 : vector<62x8x1024xf32>
    %max3A_53 = arith.maximumf %squeeze3A_45, %squeeze3A_49 : vector<62x8x1024xf32>
    %select_n3A_54 = arith.select %gt3A_52, %squeeze3A_51, %squeeze3A_47 : vector<62x8x1024xi1>, vector<62x8x1024xi32>
    %reshape3A_55 = vector.shape_cast %max3A_53 : vector<62x8x1024xf32> to vector<31x2x8x1024xf32>
    %reshape3A_56 = vector.shape_cast %select_n3A_54 : vector<62x8x1024xi32> to vector<31x2x8x1024xi32>
    %slice3A_57 = vector.extract_strided_slice %reshape3A_55 {offsets = [0, 0, 0, 0], sizes = [31, 1, 8, 1024], strides = [1, 1, 1, 1]} : vector<31x2x8x1024xf32> to vector<31x1x8x1024xf32>
    %squeeze3A_58 = vector.shape_cast %slice3A_57 : vector<31x1x8x1024xf32> to vector<31x8x1024xf32>
    %slice3A_59 = vector.extract_strided_slice %reshape3A_56 {offsets = [0, 0, 0, 0], sizes = [31, 1, 8, 1024], strides = [1, 1, 1, 1]} : vector<31x2x8x1024xi32> to vector<31x1x8x1024xi32>
    %squeeze3A_60 = vector.shape_cast %slice3A_59 : vector<31x1x8x1024xi32> to vector<31x8x1024xi32>
    %slice3A_61 = vector.extract_strided_slice %reshape3A_55 {offsets = [0, 1, 0, 0], sizes = [31, 1, 8, 1024], strides = [1, 1, 1, 1]} : vector<31x2x8x1024xf32> to vector<31x1x8x1024xf32>
    %squeeze3A_62 = vector.shape_cast %slice3A_61 : vector<31x1x8x1024xf32> to vector<31x8x1024xf32>
    %slice3A_63 = vector.extract_strided_slice %reshape3A_56 {offsets = [0, 1, 0, 0], sizes = [31, 1, 8, 1024], strides = [1, 1, 1, 1]} : vector<31x2x8x1024xi32> to vector<31x1x8x1024xi32>
    %squeeze3A_64 = vector.shape_cast %slice3A_63 : vector<31x1x8x1024xi32> to vector<31x8x1024xi32>
    %gt3A_65 = arith.cmpf ogt, %squeeze3A_62, %squeeze3A_58 : vector<31x8x1024xf32>
    %max3A_66 = arith.maximumf %squeeze3A_58, %squeeze3A_62 : vector<31x8x1024xf32>
    %select_n3A_67 = arith.select %gt3A_65, %squeeze3A_64, %squeeze3A_60 : vector<31x8x1024xi1>, vector<31x8x1024xi32>
    %slice3A_68 = vector.extract_strided_slice %max3A_66 {offsets = [30, 0, 0], sizes = [1, 8, 1024], strides = [1, 1, 1]} : vector<31x8x1024xf32> to vector<1x8x1024xf32>
    %slice3A_69 = vector.extract_strided_slice %select_n3A_67 {offsets = [30, 0, 0], sizes = [1, 8, 1024], strides = [1, 1, 1]} : vector<31x8x1024xi32> to vector<1x8x1024xi32>
    %slice3A_70 = vector.extract_strided_slice %max3A_66 {offsets = [0, 0, 0], sizes = [30, 8, 1024], strides = [1, 1, 1]} : vector<31x8x1024xf32> to vector<30x8x1024xf32>
    %slice3A_71 = vector.extract_strided_slice %select_n3A_67 {offsets = [0, 0, 0], sizes = [30, 8, 1024], strides = [1, 1, 1]} : vector<31x8x1024xi32> to vector<30x8x1024xi32>
    %reshape3A_72 = vector.shape_cast %slice3A_70 : vector<30x8x1024xf32> to vector<15x2x8x1024xf32>
    %reshape3A_73 = vector.shape_cast %slice3A_71 : vector<30x8x1024xi32> to vector<15x2x8x1024xi32>
    %slice3A_74 = vector.extract_strided_slice %reshape3A_72 {offsets = [0, 0, 0, 0], sizes = [15, 1, 8, 1024], strides = [1, 1, 1, 1]} : vector<15x2x8x1024xf32> to vector<15x1x8x1024xf32>
    %squeeze3A_75 = vector.shape_cast %slice3A_74 : vector<15x1x8x1024xf32> to vector<15x8x1024xf32>
    %slice3A_76 = vector.extract_strided_slice %reshape3A_73 {offsets = [0, 0, 0, 0], sizes = [15, 1, 8, 1024], strides = [1, 1, 1, 1]} : vector<15x2x8x1024xi32> to vector<15x1x8x1024xi32>
    %squeeze3A_77 = vector.shape_cast %slice3A_76 : vector<15x1x8x1024xi32> to vector<15x8x1024xi32>
    %slice3A_78 = vector.extract_strided_slice %reshape3A_72 {offsets = [0, 1, 0, 0], sizes = [15, 1, 8, 1024], strides = [1, 1, 1, 1]} : vector<15x2x8x1024xf32> to vector<15x1x8x1024xf32>
    %squeeze3A_79 = vector.shape_cast %slice3A_78 : vector<15x1x8x1024xf32> to vector<15x8x1024xf32>
    %slice3A_80 = vector.extract_strided_slice %reshape3A_73 {offsets = [0, 1, 0, 0], sizes = [15, 1, 8, 1024], strides = [1, 1, 1, 1]} : vector<15x2x8x1024xi32> to vector<15x1x8x1024xi32>
    %squeeze3A_81 = vector.shape_cast %slice3A_80 : vector<15x1x8x1024xi32> to vector<15x8x1024xi32>
    %gt3A_82 = arith.cmpf ogt, %squeeze3A_79, %squeeze3A_75 : vector<15x8x1024xf32>
    %max3A_83 = arith.maximumf %squeeze3A_75, %squeeze3A_79 : vector<15x8x1024xf32>
    %select_n3A_84 = arith.select %gt3A_82, %squeeze3A_81, %squeeze3A_77 : vector<15x8x1024xi1>, vector<15x8x1024xi32>
    %slice3A_85 = vector.extract_strided_slice %max3A_83 {offsets = [14, 0, 0], sizes = [1, 8, 1024], strides = [1, 1, 1]} : vector<15x8x1024xf32> to vector<1x8x1024xf32>
    %slice3A_86 = vector.extract_strided_slice %select_n3A_84 {offsets = [14, 0, 0], sizes = [1, 8, 1024], strides = [1, 1, 1]} : vector<15x8x1024xi32> to vector<1x8x1024xi32>
    %slice3A_87 = vector.extract_strided_slice %max3A_83 {offsets = [0, 0, 0], sizes = [14, 8, 1024], strides = [1, 1, 1]} : vector<15x8x1024xf32> to vector<14x8x1024xf32>
    %slice3A_88 = vector.extract_strided_slice %select_n3A_84 {offsets = [0, 0, 0], sizes = [14, 8, 1024], strides = [1, 1, 1]} : vector<15x8x1024xi32> to vector<14x8x1024xi32>
    %reshape3A_89 = vector.shape_cast %slice3A_87 : vector<14x8x1024xf32> to vector<7x2x8x1024xf32>
    %reshape3A_90 = vector.shape_cast %slice3A_88 : vector<14x8x1024xi32> to vector<7x2x8x1024xi32>
    %slice3A_91 = vector.extract_strided_slice %reshape3A_89 {offsets = [0, 0, 0, 0], sizes = [7, 1, 8, 1024], strides = [1, 1, 1, 1]} : vector<7x2x8x1024xf32> to vector<7x1x8x1024xf32>
    %squeeze3A_92 = vector.shape_cast %slice3A_91 : vector<7x1x8x1024xf32> to vector<7x8x1024xf32>
    %slice3A_93 = vector.extract_strided_slice %reshape3A_90 {offsets = [0, 0, 0, 0], sizes = [7, 1, 8, 1024], strides = [1, 1, 1, 1]} : vector<7x2x8x1024xi32> to vector<7x1x8x1024xi32>
    %squeeze3A_94 = vector.shape_cast %slice3A_93 : vector<7x1x8x1024xi32> to vector<7x8x1024xi32>
    %slice3A_95 = vector.extract_strided_slice %reshape3A_89 {offsets = [0, 1, 0, 0], sizes = [7, 1, 8, 1024], strides = [1, 1, 1, 1]} : vector<7x2x8x1024xf32> to vector<7x1x8x1024xf32>
    %squeeze3A_96 = vector.shape_cast %slice3A_95 : vector<7x1x8x1024xf32> to vector<7x8x1024xf32>
    %slice3A_97 = vector.extract_strided_slice %reshape3A_90 {offsets = [0, 1, 0, 0], sizes = [7, 1, 8, 1024], strides = [1, 1, 1, 1]} : vector<7x2x8x1024xi32> to vector<7x1x8x1024xi32>
    %squeeze3A_98 = vector.shape_cast %slice3A_97 : vector<7x1x8x1024xi32> to vector<7x8x1024xi32>
    %gt3A_99 = arith.cmpf ogt, %squeeze3A_96, %squeeze3A_92 : vector<7x8x1024xf32>
    %max3A_100 = arith.maximumf %squeeze3A_92, %squeeze3A_96 : vector<7x8x1024xf32>
    %select_n3A_101 = arith.select %gt3A_99, %squeeze3A_98, %squeeze3A_94 : vector<7x8x1024xi1>, vector<7x8x1024xi32>
    %slice3A_102 = vector.extract_strided_slice %max3A_100 {offsets = [6, 0, 0], sizes = [1, 8, 1024], strides = [1, 1, 1]} : vector<7x8x1024xf32> to vector<1x8x1024xf32>
    %slice3A_103 = vector.extract_strided_slice %select_n3A_101 {offsets = [6, 0, 0], sizes = [1, 8, 1024], strides = [1, 1, 1]} : vector<7x8x1024xi32> to vector<1x8x1024xi32>
    %slice3A_104 = vector.extract_strided_slice %max3A_100 {offsets = [0, 0, 0], sizes = [6, 8, 1024], strides = [1, 1, 1]} : vector<7x8x1024xf32> to vector<6x8x1024xf32>
    %slice3A_105 = vector.extract_strided_slice %select_n3A_101 {offsets = [0, 0, 0], sizes = [6, 8, 1024], strides = [1, 1, 1]} : vector<7x8x1024xi32> to vector<6x8x1024xi32>
    %reshape3A_106 = vector.shape_cast %slice3A_104 : vector<6x8x1024xf32> to vector<3x2x8x1024xf32>
    %reshape3A_107 = vector.shape_cast %slice3A_105 : vector<6x8x1024xi32> to vector<3x2x8x1024xi32>
    %slice3A_108 = vector.extract_strided_slice %reshape3A_106 {offsets = [0, 0, 0, 0], sizes = [3, 1, 8, 1024], strides = [1, 1, 1, 1]} : vector<3x2x8x1024xf32> to vector<3x1x8x1024xf32>
    %squeeze3A_109 = vector.shape_cast %slice3A_108 : vector<3x1x8x1024xf32> to vector<3x8x1024xf32>
    %slice3A_110 = vector.extract_strided_slice %reshape3A_107 {offsets = [0, 0, 0, 0], sizes = [3, 1, 8, 1024], strides = [1, 1, 1, 1]} : vector<3x2x8x1024xi32> to vector<3x1x8x1024xi32>
    %squeeze3A_111 = vector.shape_cast %slice3A_110 : vector<3x1x8x1024xi32> to vector<3x8x1024xi32>
    %slice3A_112 = vector.extract_strided_slice %reshape3A_106 {offsets = [0, 1, 0, 0], sizes = [3, 1, 8, 1024], strides = [1, 1, 1, 1]} : vector<3x2x8x1024xf32> to vector<3x1x8x1024xf32>
    %squeeze3A_113 = vector.shape_cast %slice3A_112 : vector<3x1x8x1024xf32> to vector<3x8x1024xf32>
    %slice3A_114 = vector.extract_strided_slice %reshape3A_107 {offsets = [0, 1, 0, 0], sizes = [3, 1, 8, 1024], strides = [1, 1, 1, 1]} : vector<3x2x8x1024xi32> to vector<3x1x8x1024xi32>
    %squeeze3A_115 = vector.shape_cast %slice3A_114 : vector<3x1x8x1024xi32> to vector<3x8x1024xi32>
    %gt3A_116 = arith.cmpf ogt, %squeeze3A_113, %squeeze3A_109 : vector<3x8x1024xf32>
    %max3A_117 = arith.maximumf %squeeze3A_109, %squeeze3A_113 : vector<3x8x1024xf32>
    %select_n3A_118 = arith.select %gt3A_116, %squeeze3A_115, %squeeze3A_111 : vector<3x8x1024xi1>, vector<3x8x1024xi32>
    %slice3A_119 = vector.extract_strided_slice %max3A_117 {offsets = [2, 0, 0], sizes = [1, 8, 1024], strides = [1, 1, 1]} : vector<3x8x1024xf32> to vector<1x8x1024xf32>
    %slice3A_120 = vector.extract_strided_slice %select_n3A_118 {offsets = [2, 0, 0], sizes = [1, 8, 1024], strides = [1, 1, 1]} : vector<3x8x1024xi32> to vector<1x8x1024xi32>
    %slice3A_121 = vector.extract_strided_slice %max3A_117 {offsets = [0, 0, 0], sizes = [2, 8, 1024], strides = [1, 1, 1]} : vector<3x8x1024xf32> to vector<2x8x1024xf32>
    %slice3A_122 = vector.extract_strided_slice %select_n3A_118 {offsets = [0, 0, 0], sizes = [2, 8, 1024], strides = [1, 1, 1]} : vector<3x8x1024xi32> to vector<2x8x1024xi32>
    %reshape3A_123 = vector.shape_cast %slice3A_121 : vector<2x8x1024xf32> to vector<1x2x8x1024xf32>
    %reshape3A_124 = vector.shape_cast %slice3A_122 : vector<2x8x1024xi32> to vector<1x2x8x1024xi32>
    %slice3A_125 = vector.extract_strided_slice %reshape3A_123 {offsets = [0, 0, 0, 0], sizes = [1, 1, 8, 1024], strides = [1, 1, 1, 1]} : vector<1x2x8x1024xf32> to vector<1x1x8x1024xf32>
    %squeeze3A_126 = vector.shape_cast %slice3A_125 : vector<1x1x8x1024xf32> to vector<1x8x1024xf32>
    %slice3A_127 = vector.extract_strided_slice %reshape3A_124 {offsets = [0, 0, 0, 0], sizes = [1, 1, 8, 1024], strides = [1, 1, 1, 1]} : vector<1x2x8x1024xi32> to vector<1x1x8x1024xi32>
    %squeeze3A_128 = vector.shape_cast %slice3A_127 : vector<1x1x8x1024xi32> to vector<1x8x1024xi32>
    %slice3A_129 = vector.extract_strided_slice %reshape3A_123 {offsets = [0, 1, 0, 0], sizes = [1, 1, 8, 1024], strides = [1, 1, 1, 1]} : vector<1x2x8x1024xf32> to vector<1x1x8x1024xf32>
    %squeeze3A_130 = vector.shape_cast %slice3A_129 : vector<1x1x8x1024xf32> to vector<1x8x1024xf32>
    %slice3A_131 = vector.extract_strided_slice %reshape3A_124 {offsets = [0, 1, 0, 0], sizes = [1, 1, 8, 1024], strides = [1, 1, 1, 1]} : vector<1x2x8x1024xi32> to vector<1x1x8x1024xi32>
    %squeeze3A_132 = vector.shape_cast %slice3A_131 : vector<1x1x8x1024xi32> to vector<1x8x1024xi32>
    %gt3A_133 = arith.cmpf ogt, %squeeze3A_130, %squeeze3A_126 : vector<1x8x1024xf32>
    %max3A_134 = arith.maximumf %squeeze3A_126, %squeeze3A_130 : vector<1x8x1024xf32>
    %select_n3A_135 = arith.select %gt3A_133, %squeeze3A_132, %squeeze3A_128 : vector<1x8x1024xi1>, vector<1x8x1024xi32>
    %squeeze3A_136 = vector.shape_cast %max3A_134 : vector<1x8x1024xf32> to vector<8x1024xf32>
    %squeeze3A_137 = vector.shape_cast %select_n3A_135 : vector<1x8x1024xi32> to vector<8x1024xi32>
    %squeeze3A_138 = vector.shape_cast %slice3A_119 : vector<1x8x1024xf32> to vector<8x1024xf32>
    %squeeze3A_139 = vector.shape_cast %slice3A_120 : vector<1x8x1024xi32> to vector<8x1024xi32>
    %gt3A_140 = arith.cmpf ogt, %squeeze3A_138, %squeeze3A_136 : vector<8x1024xf32>
    %eq3A_141 = arith.cmpf oeq, %squeeze3A_138, %squeeze3A_136 : vector<8x1024xf32>
    %lt3A = arith.cmpi slt, %squeeze3A_139, %squeeze3A_137 : vector<8x1024xi32>
    %and3A = arith.andi %eq3A_141, %lt3A : vector<8x1024xi1>
    %or3A = arith.ori %gt3A_140, %and3A : vector<8x1024xi1>
    %select_n3A_142 = arith.select %or3A, %squeeze3A_138, %squeeze3A_136 : vector<8x1024xi1>, vector<8x1024xf32>
    %select_n3A_143 = arith.select %or3A, %squeeze3A_139, %squeeze3A_137 : vector<8x1024xi1>, vector<8x1024xi32>
    %squeeze3A_144 = vector.shape_cast %slice3A_102 : vector<1x8x1024xf32> to vector<8x1024xf32>
    %squeeze3A_145 = vector.shape_cast %slice3A_103 : vector<1x8x1024xi32> to vector<8x1024xi32>
    %gt3A_146 = arith.cmpf ogt, %squeeze3A_144, %select_n3A_142 : vector<8x1024xf32>
    %eq3A_147 = arith.cmpf oeq, %squeeze3A_144, %select_n3A_142 : vector<8x1024xf32>
    %lt3A_148 = arith.cmpi slt, %squeeze3A_145, %select_n3A_143 : vector<8x1024xi32>
    %and3A_149 = arith.andi %eq3A_147, %lt3A_148 : vector<8x1024xi1>
    %or3A_150 = arith.ori %gt3A_146, %and3A_149 : vector<8x1024xi1>
    %select_n3A_151 = arith.select %or3A_150, %squeeze3A_144, %select_n3A_142 : vector<8x1024xi1>, vector<8x1024xf32>
    %select_n3A_152 = arith.select %or3A_150, %squeeze3A_145, %select_n3A_143 : vector<8x1024xi1>, vector<8x1024xi32>
    %squeeze3A_153 = vector.shape_cast %slice3A_85 : vector<1x8x1024xf32> to vector<8x1024xf32>
    %squeeze3A_154 = vector.shape_cast %slice3A_86 : vector<1x8x1024xi32> to vector<8x1024xi32>
    %gt3A_155 = arith.cmpf ogt, %squeeze3A_153, %select_n3A_151 : vector<8x1024xf32>
    %eq3A_156 = arith.cmpf oeq, %squeeze3A_153, %select_n3A_151 : vector<8x1024xf32>
    %lt3A_157 = arith.cmpi slt, %squeeze3A_154, %select_n3A_152 : vector<8x1024xi32>
    %and3A_158 = arith.andi %eq3A_156, %lt3A_157 : vector<8x1024xi1>
    %or3A_159 = arith.ori %gt3A_155, %and3A_158 : vector<8x1024xi1>
    %select_n3A_160 = arith.select %or3A_159, %squeeze3A_153, %select_n3A_151 : vector<8x1024xi1>, vector<8x1024xf32>
    %select_n3A_161 = arith.select %or3A_159, %squeeze3A_154, %select_n3A_152 : vector<8x1024xi1>, vector<8x1024xi32>
    %squeeze3A_162 = vector.shape_cast %slice3A_68 : vector<1x8x1024xf32> to vector<8x1024xf32>
    %squeeze3A_163 = vector.shape_cast %slice3A_69 : vector<1x8x1024xi32> to vector<8x1024xi32>
    %gt3A_164 = arith.cmpf ogt, %squeeze3A_162, %select_n3A_160 : vector<8x1024xf32>
    %eq3A_165 = arith.cmpf oeq, %squeeze3A_162, %select_n3A_160 : vector<8x1024xf32>
    %lt3A_166 = arith.cmpi slt, %squeeze3A_163, %select_n3A_161 : vector<8x1024xi32>
    %and3A_167 = arith.andi %eq3A_165, %lt3A_166 : vector<8x1024xi1>
    %or3A_168 = arith.ori %gt3A_164, %and3A_167 : vector<8x1024xi1>
    %select_n3A_169 = arith.select %or3A_168, %squeeze3A_162, %select_n3A_160 : vector<8x1024xi1>, vector<8x1024xf32>
    %select_n3A_170 = arith.select %or3A_168, %squeeze3A_163, %select_n3A_161 : vector<8x1024xi1>, vector<8x1024xi32>
    %squeeze3A_171 = vector.shape_cast %slice3A_38 : vector<1x8x1024xf32> to vector<8x1024xf32>
    %squeeze3A_172 = vector.shape_cast %slice3A_39 : vector<1x8x1024xi32> to vector<8x1024xi32>
    %gt3A_173 = arith.cmpf ogt, %squeeze3A_171, %select_n3A_169 : vector<8x1024xf32>
    %eq3A_174 = arith.cmpf oeq, %squeeze3A_171, %select_n3A_169 : vector<8x1024xf32>
    %lt3A_175 = arith.cmpi slt, %squeeze3A_172, %select_n3A_170 : vector<8x1024xi32>
    %and3A_176 = arith.andi %eq3A_174, %lt3A_175 : vector<8x1024xi1>
    %or3A_177 = arith.ori %gt3A_173, %and3A_176 : vector<8x1024xi1>
    %select_n3A_178 = arith.select %or3A_177, %squeeze3A_171, %select_n3A_169 : vector<8x1024xi1>, vector<8x1024xf32>
    %select_n3A_179 = arith.select %or3A_177, %squeeze3A_172, %select_n3A_170 : vector<8x1024xi1>, vector<8x1024xi32>
    %get3A_180 = arith.constant 0 : index
    %get3A_181 = arith.constant 0 : index
    %get3A_182 = vector.load %arg4[%get3A_180, %get3A_181] : memref<8x1024xf32, #tpu.memory_space<vmem>>, vector<8x1024xf32>
    %gt3A_183 = arith.cmpf ogt, %select_n3A_178, %get3A_182 : vector<8x1024xf32>
    %get3A_184 = arith.constant 0 : index
    %get3A_185 = arith.constant 0 : index
    %get3A_186 = vector.load %arg4[%get3A_184, %get3A_185] : memref<8x1024xf32, #tpu.memory_space<vmem>>, vector<8x1024xf32>
    %select_n3A_187 = arith.select %gt3A_183, %select_n3A_178, %get3A_186 : vector<8x1024xi1>, vector<8x1024xf32>
    %swap3A = arith.constant 0 : index
    %swap3A_188 = arith.constant 0 : index
    %swap3A_189 = vector.load %arg4[%swap3A, %swap3A_188] : memref<8x1024xf32, #tpu.memory_space<vmem>>, vector<8x1024xf32>
    tpu.vector_store %arg4[%swap3A, %swap3A_188], %select_n3A_187 {strides = array<i32>} : memref<8x1024xf32, #tpu.memory_space<vmem>>, vector<8x1024xf32>,
    %mul3A_190 = arith.constant 500 : i32
    %mul3A_191 = arith.muli %arg0, %mul3A_190 : i32
    %add3A_192 = vector.broadcast %mul3A_191 : i32 to vector<8x1024xi32>
    %add3A_193 = arith.addi %select_n3A_179, %add3A_192 : vector<8x1024xi32>
    %get3A_194 = arith.constant 0 : index
    %get3A_195 = arith.constant 0 : index
    %get3A_196 = vector.load %arg5[%get3A_194, %get3A_195] : memref<8x1024xi32, #tpu.memory_space<vmem>>, vector<8x1024xi32>
    %select_n3A_197 = arith.select %gt3A_183, %add3A_193, %get3A_196 : vector<8x1024xi1>, vector<8x1024xi32>
    %swap3A_198 = arith.constant 0 : index
    %swap3A_199 = arith.constant 0 : index
    %swap3A_200 = vector.load %arg5[%swap3A_198, %swap3A_199] : memref<8x1024xi32, #tpu.memory_space<vmem>>, vector<8x1024xi32>
    tpu.vector_store %arg5[%swap3A_198, %swap3A_199], %select_n3A_197 {strides = array<i32>} : memref<8x1024xi32, #tpu.memory_space<vmem>>, vector<8x1024xi32>,
    %eq3A_201 = arith.constant 24 : i32
    %eq3A_202 = arith.cmpi eq, %arg0, %eq3A_201 : i32
    %convert_element_type3A_203 = arith.extui %eq3A_202 : i1 to i32
    %cond3A_204 = arith.constant 0 : i32
    %cond3A_205 = arith.cmpi ne, %convert_element_type3A_203, %cond3A_204 : i32
    scf.if %cond3A_205 {
      %get3A_206 = arith.constant 0 : index
      %get3A_207 = arith.constant 0 : index
      %get3A_208 = vector.load %arg4[%get3A_206, %get3A_207] : memref<8x1024xf32, #tpu.memory_space<vmem>>, vector<8x1024xf32>
      %get3A_209 = arith.constant 0 : index
      %get3A_210 = arith.constant 0 : index
      %get3A_211 = vector.load %arg5[%get3A_209, %get3A_210] : memref<8x1024xi32, #tpu.memory_space<vmem>>, vector<8x1024xi32>
      %mul3A_212 = arith.constant 8 : i32
      %mul3A_213 = vector.broadcast %mul3A_212 : i32 to vector<8x1024xi32>
      %mul3A_214 = arith.muli %get3A_211, %mul3A_213 : vector<8x1024xi32>
      %iota3A_215 = tpu.iota {dimensions = array<i32: 0>} : vector<8x1024xi32>
      %add3A_216 = arith.addi %mul3A_214, %iota3A_215 : vector<8x1024xi32>
      %reduce_max3A = arith.constant dense<0xFF800000> : vector<1024xf32>
      %reduce_max3A_217 = vector.multi_reduction <maximumf>, %get3A_208, %reduce_max3A [0] : vector<8x1024xf32> to vector<1024xf32>
      %broadcast_in_dim3A_218 = vector.shape_cast %reduce_max3A_217 : vector<1024xf32> to vector<1x1024xf32>
      %eq3A_219 = vector.broadcast %broadcast_in_dim3A_218 : vector<1x1024xf32> to vector<8x1024xf32>
      %eq3A_220 = arith.cmpf oeq, %get3A_208, %eq3A_219 : vector<8x1024xf32>
      %jit3A_221 = arith.constant 2147483647 : i32
      %broadcast_in_dim3A_222 = vector.broadcast %jit3A_221 : i32 to vector<8x1024xi32>
      %select_n3A_223 = arith.select %eq3A_220, %add3A_216, %broadcast_in_dim3A_222 : vector<8x1024xi1>, vector<8x1024xi32>
      %reduce_min3A = arith.constant dense<2147483647> : vector<1024xi32>
      %reduce_min3A_224 = vector.multi_reduction <minsi>, %select_n3A_223, %reduce_min3A [0] : vector<8x1024xi32> to vector<1024xi32>
      %swap3A_225 = arith.constant 0 : index
      %swap3A_226 = vector.load %arg3[%swap3A_225] : memref<1024xi32, #tpu.memory_space<vmem>>, vector<1024xi32>
      tpu.vector_store %arg3[%swap3A_225], %reduce_min3A_224 {strides = array<i32>} : memref<1024xi32, #tpu.memory_space<vmem>>, vector<1024xi32>,
    } else {
    }
    return
  }
  func.func @transform_0(%arg0: i32) -> (i32, i32) {
    %c0_i32 = arith.constant 0 : i32
    %c0_i32_0 = arith.constant 0 : i32
    %c0_i32_1 = arith.constant 0 : i32
    return %c0_i32, %c0_i32_0 : i32, i32
  }
  func.func @transform_1(%arg0: i32) -> (i32, i32) {
    %c0_i32 = arith.constant 0 : i32
    %c0_i32_0 = arith.constant 0 : i32
    return %arg0, %c0_i32 : i32, i32
  }
  func.func @transform_2(%arg0: i32) -> i32 {
    %c0_i32 = arith.constant 0 : i32
    %c0_i32_0 = arith.constant 0 : i32
    return %c0_i32 : i32
  }
}

</mosaic_0001>

<sc_bundles>
// kernel: kernel.4.cloned.1.call-start
scs
__scs_entry_jumppad:
0x0: {  	(pc) =	sbr.rel $0x88, $3  }
0x1: {  	(tag) =	ssettag $0x0;
	lr =	simm.s32 $0x1  }
0x2: {  	[smem:$0x3F9E] =	sst lr;
	_ =	strace $0xD0000000  }
0x3: {  	_ = 	snop  }
0x4: {  	_ = 	snop  }
0x5: {  	_ = 	snop  }
0x6: {  	_ = 	snop  }
0x7: {  	_ = 	snop  }
__scs_overlays_trampoline_lowered:
0x8: {  	[smem:$0x3FAD] =	sst s0  }
0x9: {  	[smem:$0x3FAE] =	sst s1  }
0xa: {  	[smem:$0x3FAF] =	sst s2  }
0xb: {  	[smem:$0x3FB0] =	sst s3  }
0xc: {  	[smem:$0x3FB1] =	sst s4  }
0xd: {  	[smem:$0x3FB2] =	sst s5  }
0xe: {  	[smem:$0x3FB3] =	sst s6  }
0xf: {  	[smem:$0x3FB4] =	sst s7  }
0x10: {  	[smem:$0x3FB5] =	sst s8  }
0x11: {  	[smem:$0x3FB6] =	sst s9;
	s0 =	simm.s32 @!p0 $0x0  }
0x12: {  	s1 =	sld [smem:$0x3F9C];
	s0 =	simm.s32 @p0 $0x1  }
0x13: {  	[smem:$0x3FB7] =	sst s0;
	s0 =	simm.s32 @!p1 $0x0  }
0x14: {  	s2 =	sld [smem:$0x3F9B];
	s0 =	simm.s32 @p1 $0x1  }
0x15: {  	[smem:$0x3FB8] =	sst s0;
	s0 =	simm.s32 @!p2 $0x0  }
0x16: {  	s3 =	sld [smem:$0x3FDB];
	s0 =	simm.s32 @p2 $0x1  }
0x17: {  	s4 =	simm.s32 $0x1BF5;
	[smem:$0x3FBA] =	sst s0  }
0x18: {  	s0 =	sld [smem:$0x3F9D];
	_ =	swait.ge [sflag:s4], $0x0  }
0x19: {  	s7 =	sld [smem:$0x3F9E]  }
0x1a: {  	s8 =	sadd.s32 $0xFFFFE003, lr  }
0x1b: {  	s9 =	sadd.s32 $0xFFFFFEF7, lr;
	s5 =	simm.s32 $0xFFFFFFFF;
	p2 =	slt.u32 s8, $0xFFFFF086  }
0x1c: {  	p1 =	slt.u32 s9, $0xF7A;
	s5 =	simm.s32 @!p2 $0x0  }
0x1d: {  	s5 =	simm.s32 @p1 $0x1;
	p0 =	seq.s32 s7, s2  }
0x1e: {  	s7 =	smul.u32 @!p0 $0xF7A, s2;
	p2 =	seq.s32 @!p0 s5, $0x0  }
0x1f: {  	s9 =	smul.u32 $0xF7A, s1;
	s8 =	simm.s32 @!p0 $0x1BF5;
	p2 =	por !p2, p0  }
0x20: {  	[sflag:s8] =	ssyncset.s32 @!p0 $0xFFFFF086;
	s6 =	sadd.s32 @!p0 s3, s7;
	s7 =	simm.s32 @!p0 $0x108  }
0x21: {  	s3 =	sadd.s32 s3, s9;
	s6 =	sadd.s32 @!p0 $0x88, s6;
	s7 =	simm.s32 @p2 $0x1082  }
0x22: {  	[simem:s7], [sflag:s8] =	dma.local @!p0 [hbm:s6], $0xF7A  }
0x23: {  	s9 =	sor.u32 $0xD0000000, s2;
	s6 =	simm.s32 $0x108;
	_ =	swait.ge @!p0 [sflag:s8], $0x0  }
0x24: {  	s3 =	sadd.s32 $0x88, s3;
	s6 =	simm.s32 @!p1 $0x1082;
	[sflag:s4] =	ssyncset.s32 $0xFFFFF086  }
0x25: {  	[simem:s6], [sflag:s4] =	dma.local [hbm:s3], $0xF7A  }
0x26: {  	[smem:$0x3F9E] =	sst s1;
	(tag) =	ssettag s2;
	_ =	strace s9  }
0x27: {  	s1 =	sld [smem:$0x3FAE]  }
0x28: {  	s2 =	sld [smem:$0x3FAF]  }
0x29: {  	s4 =	sld [smem:$0x3FB1]  }
0x2a: {  	p0 =	seq.s32 s5, $0x0;
	s5 =	sld [smem:$0x3FB2]  }
0x2b: {  	s6 =	sld [smem:$0x3FB3]  }
0x2c: {  	s7 =	sld [smem:$0x3FB4]  }
0x2d: {  	s3 =	simm.s32 $0x108;
	s8 =	sld [smem:$0x3FB5]  }
0x2e: {  	s3 =	simm.s32 @!p0 $0x1082;
	s9 =	sld [smem:$0x3FB6]  }
0x2f: {  	lr =	sadd.s32 s0, s3;
	s0 =	sld [smem:$0x3FAD]  }
0x30: {  	s3 =	sld [smem:$0x3FB0]  }
0x31: {  	[smem:$0x3FB9] =	sst s10  }
0x32: {  	s10 =	sld [smem:$0x3FB7];
	_ =	sdelay $0x3  }
0x33: {  	p0 =	seq.s32 s10, $0x1;
	s10 =	sld [smem:$0x3FB9];
	_ =	sdelay $0x3  }
0x34: {  	[smem:$0x3FB9] =	sst s10  }
0x35: {  	s10 =	sld [smem:$0x3FB8];
	_ =	sdelay $0x3  }
0x36: {  	p1 =	seq.s32 s10, $0x1;
	s10 =	sld [smem:$0x3FB9];
	_ =	sdelay $0x3  }
0x37: {  	[smem:$0x3FB9] =	sst s10  }
0x38: {  	s10 =	sld [smem:$0x3FBA]  }
0x39: {  	_ = 	snop;
	(pc) =	sbr.ind lr, $3  }
0x3a: {  	_ = 	snop  }
0x3b: {  	_ = 	snop  }
0x3c: {  	p2 =	seq.s32 s10, $0x1;
	s10 =	sld [smem:$0x3FB9]  }
0x3d: {  	_ =	shalt  }
0x3e: {  	_ =	shalt  }
0x3f: {  	_ =	shalt  }
0x40: {  	_ =	shalt  }
0x41: {  	_ =	shalt  }
0x42: {  	_ =	shalt  }
0x43: {  	_ =	shalt  }
0x44: {  	_ =	shalt  }
0x45: {  	_ =	shalt  }
0x46: {  	_ =	shalt  }
0x47: {  	_ =	shalt  }
0x48: {  	_ =	shalt  }
0x49: {  	_ =	shalt  }
0x4a: {  	_ =	shalt  }
0x4b: {  	_ =	shalt  }
0x4c: {  	_ =	shalt  }
0x4d: {  	_ =	shalt  }
0x4e: {  	_ =	shalt  }
0x4f: {  	_ =	shalt  }
0x50: {  	_ =	shalt  }
0x51: {  	_ =	shalt  }
0x52: {  	_ =	shalt  }
0x53: {  	_ =	shalt  }
0x54: {  	_ =	shalt  }
0x55: {  	_ =	shalt  }
0x56: {  	_ =	shalt  }
0x57: {  	_ =	shalt  }
0x58: {  	_ =	shalt  }
0x59: {  	_ =	shalt  }
0x5a: {  	_ =	shalt  }
0x5b: {  	_ =	shalt  }
0x5c: {  	_ =	shalt  }
0x5d: {  	_ =	shalt  }
0x5e: {  	_ =	shalt  }
0x5f: {  	_ =	shalt  }
0x60: {  	_ =	shalt  }
0x61: {  	_ =	shalt  }
0x62: {  	_ =	shalt  }
0x63: {  	_ =	shalt  }
0x64: {  	_ =	shalt  }
0x65: {  	_ =	shalt  }
0x66: {  	_ =	shalt  }
0x67: {  	_ =	shalt  }
0x68: {  	_ =	shalt  }
0x69: {  	_ =	shalt  }
0x6a: {  	_ =	shalt  }
0x6b: {  	_ =	shalt  }
0x6c: {  	_ =	shalt  }
0x6d: {  	_ =	shalt  }
0x6e: {  	_ =	shalt  }
0x6f: {  	_ =	shalt  }
0x70: {  	_ =	shalt  }
0x71: {  	_ =	shalt  }
0x72: {  	_ =	shalt  }
0x73: {  	_ =	shalt  }
0x74: {  	_ =	shalt  }
0x75: {  	_ =	shalt  }
0x76: {  	_ =	shalt  }
0x77: {  	_ =	shalt  }
0x78: {  	_ =	shalt  }
0x79: {  	_ =	shalt  }
0x7a: {  	_ =	shalt  }
0x7b: {  	_ =	shalt  }
0x7c: {  	_ =	shalt  }
0x7d: {  	_ =	shalt  }
0x7e: {  	_ =	shalt  }
0x7f: {  	_ =	shalt  }
0x80: {  	_ =	shalt  }
0x81: {  	_ =	shalt  }
0x82: {  	_ =	shalt  }
0x83: {  	_ =	shalt  }
0x84: {  	_ =	shalt  }
0x85: {  	_ =	shalt  }
0x86: {  	_ =	shalt  }
0x87: {  	_ =	shalt  }
.Lfunc_end0:
.L_simem_size_0:
called_computation_lowered:
.L_overlay_start_0:
0x88: {  	s2 =	sld [smem:$0x3FD9]  }
0x89: {  	s3 =	sld [smem:$0x3FFE];
	_ =	sdelay $0x1  }
0x8a: {  	s1 =	srdreg.scid  }
0x8b: {  	s0 =	sand.u32 $0x1, s1  }
0x8c: {  	s17 =	sshll.u32 s0, $0xA;
	s2 =	sadd.s32 s3, s2  }
0x8d: {  	s2 =	sadd.s32 s2, s17  }
0x8e: {  	[smem:$0x3FC5] =	sst s2  }
0x8f: {  	_ = 	snop  }
0x90: {  	s2 =	sld [smem:$0x3FC7]  }
0x91: {  	s18 =	sld [smem:$0x3FD0];
	(tm) =	ssettm $0x1  }
0x92: {  	s4 =	sld [smem:$0x3FFB];
	_ =	sdelay $0x3  }
0x93: {  	_ =	strace s4  }
0x94: {  	s4 =	sld [smem:$0x3FFC];
	_ =	sdelay $0x3  }
0x95: {  	_ =	strace s4  }
0x96: {  	s4 =	sld [smem:$0x3FFD];
	_ =	sdelay $0x3  }
0x97: {  	_ =	strace s4  }
0x98: {  	_ =	strace $0x8FFFFFFF  }
0x99: {  	s19 =	sld [smem:$0x3FDB];
	_ =	sdelay $0x1  }
0x9a: {  	s5 =	simm.s32 $_scs_section_size  }
0x9b: {  	s6 =	simm.s32 $_size__tile_overlayer_lowered;
	s7 =	simm.s32 $_tile_overlayer_lowered  }
0x9c: {  	s22 =	simm.s32 $0x1BFF;
	s21 =	sshll.u32 s7, $0x1;
	s4 =	sadd.s32 s5, s19  }
0x9d: {  	s8 =	simm.s32 $0x0;
	s20 =	sshll.u32 s6, $0x1;
	s6 =	sadd.s32 s21, s4  }
0x9e: {  	[timem:s8], [sflag:s22] =	dma.local [hbm:s6], s20  }
0x9f: {  	_ =	swait.ge [sflag:s22], s20  }
0xa0: {  	s5 =	ssub.s32 $0x0, s20;
	[sflag:s22] =	ssyncset.done $0x0  }
0xa1: {  	[sflag:s22] =	ssyncadd.s32 s5;
	_ =	sdelay $0x1  }
0xa2: {  	s23 =	simm.s32 $0x1B8B  }
0xa3: {  	_ =	swait.ge [sflag:s23], $0x1  }
0xa4: {  	[sflag:s23] =	ssyncset.done $0x0  }
0xa5: {  	s25 =	simm.s32 $0x1B8E;
	s24 =	sld [smem:$0x3FFE];
	[sflag:s23] =	ssyncadd.s32 $0xFFFFFFFF  }
0xa6: {  	s26 =	simm.s32 $execute0_lowered;
	[smem:$0x3FD2] =	sst s25  }
0xa7: {  	s6 =	sshll.u32 s26, $0x1;
	_ =	strace $0x80000046;
	[dreg:$0x1] =	wrdreg $0xFFFFFFFF  }
0xa8: {  	s28 =	simm.s32 $_size_execute0_lowered;
	s4 =	sadd.s32 s4, s6;
	[dreg:$0x0] =	wrdreg $0x0  }
0xa9: {  	s6 =	sshll.u32 s28, $0x1;
	[dreg:$0x2] =	wrdreg s4  }
0xaa: {  	[dreg:$0x3] =	wrdreg s6  }
0xab: {  	[dreg:$0x4] =	wrdreg $0xC0  }
0xac: {  	_ =	task [dreg:s8], $0x5FFFF  }
0xad: {  	[dreg:$0x1] =	wrdreg $0xFFFFFFFF  }
0xae: {  	[dreg:$0x0] =	wrdreg $0x60  }
0xaf: {  	[dreg:$0x2] =	wrdreg s2  }
0xb0: {  	[dreg:$0x3] =	wrdreg s24  }
0xb1: {  	[dreg:$0x4] =	wrdreg s18  }
0xb2: {  	[dreg:$0x5] =	wrdreg $0x9  }
0xb3: {  	_ =	task.clear_ibuf [dreg:s8], $0x6FFFF;
	_ =	strace $0x90000046  }
0xb4: {  	s29 =	simm.s32 $0x9;
	_ =	strace $0x80000048  }
0xb5: {  	_ =	swait.ge [sflag:s29], $0x1  }
0xb6: {  	[sflag:s29] =	ssyncadd.s32 $0xFFFFFFFF  }
0xb7: {  	_ =	strace $0x90000048  }
0xb8: {  	_ =	sfence  }
0xb9: {  	s30 =	sld [smem:$0x0];
	_ =	sdelay $0x2  }
0xba: {  	s31 =	sshll.u32 s1, $0xD;
	s1 =	sshrl.u32 s1, $0x2  }
0xbb: {  	s3 =	sand.u32 $0x4000, s31;
	s1 =	sadd.s32 s1, s30  }
0xbc: {  	s0 =	sor.u32 s3, s0;
	s1 =	sshll.u32 s1, $0x11  }
0xbd: {  	s0 =	sor.u32 s1, s0  }
0xbe: {  	s0 =	sadd.s32 $0x8F2B, s0  }
0xbf: {  	[sflag:s0] =	ssyncadd.remote.s32 $0x1  }
0xc0: {  	_ =	sfence.sel $0xFFFF  }
0xc1: {  	[dreg:$0x0] =	wrdreg $0xFFFFFFFF;
	(pc) =	sbr.abs _section_cstart, $3  }
0xc2: {  	[dreg:$0x1] =	wrdreg $0xFFFFFFFF  }
0xc3: {  	_ =	task.clear_ibuf [dreg:s8], $0x2FFFF;
	_ =	strace $0x9FFFFFFF  }
0xc4: {  	(tm) =	ssettm $0x7FFFFFFF  }
0xc5: {  	_ =	shalt  }
tec
execute0_lowered:
.L_overlay_start_1:
0x0: {  	(tag) =	ssettag $0x1  }
0x1: {  	s2 =	srdreg.scid  }
0x2: {  	s1 =	rddreg [dreg:$0x0];
	s0 =	stileid.u32;
	s6 =	sand.u32 $0x1, s2  }
0x3: {  	s4 =	rddreg [dreg:$0x1];
	s30 =	sshll.u32 s0, $0x6;
	s3 =	sshll.u32 s6, $0x5  }
0x4: {  	s9 =	rddreg [dreg:$0x2];
	s10 =	sor.u32 s3, s30  }
0x5: {  	s2 =	rddreg [dreg:$0x3];
	s3 =	simm.s32 $0x0;
	s5 =	sshrl.u32 s10, $0x3  }
0x6: {  	s11 =	ssub.s32 $0x2, s6;
	[smem:$0x7FF] =	sst s3;
	s4 =	sadd.s32 s5, s4  }
0x7: {  	_ =	strace $0x80000047;
	s5 =	sadd.s32 $0x800, s4;
	s4 =	simm.s32 $0x2  }
0x8: {  	[tilespmem:s3], [sflag:$0x2] =	stream.linear.gather [hbm4b:s5+s3], $0x20, $0x38;
	[tilespmem:$0x1080] =	vst v63  }
0x9: {  	s7 =	simm.s32 $0x80;
	s12 =	sshrl.u32 s11, $0x1;
	_ =	swait.ge [sflag:s4], $0x20  }
0xa: {  	s8 =	simm.s32 $0x1;
	s11 =	ssub.s32 s11, s12;
	[sflag:s4] =	ssyncset.done $0x0  }
0xb: {  	s6 =	simm.s32 $0x20;
	s31 =	smax.u32 s11, $0x1;
	[sflag:s4] =	ssyncadd.s32 $0xFFFFFFE0  }
0xc: {  	[tilespmem:s7], [sflag:$0x1] =	stream.indirect.gather [hbm4b:s1+s6], $0x80, s3, s6, $0xb8;
	[tilespmem:$0x1080] =	vst v63  }
0xd: {  	p0 =	sne.s32 s31, $0x1;
	_ =	swait.ge [sflag:s8], $0x1000  }
.Ltmp0:
0xe: {  	s10 =	sshll.u32 s10, $0x4;
	[sflag:s8] =	ssyncset.done $0x0;
	(pc) =	sbr.rel @!p0 .LBB2_2-.Ltmp0, $4  }
0xf: {  	s9 =	sadd.s32 s9, s10;
	[sflag:s8] =	ssyncadd.s32 $0xFFFFF000  }
0x10: {  	[hbm4b:s9+s3] =	stream.linear.scatter [tilespmem:s7], [sflag:$0x2], $0x1000, $0x38;
	[tilespmem:$0x1080] =	vst v63  }
0x11: {  	_ =	swait.ge [sflag:s4], $0x1000  }
0x12: {  	s10 =	sadd.s32 $0xFFFFFFFF, s31;
	[sflag:s4] =	ssyncset.done $0x0  }
.LBB2_1:
0x13: {  	p0 =	sne.s32 s10, $0x1;
	s10 =	sadd.s32 $0xFFFFFFFF, s10;
	[sflag:s4] =	ssyncadd.s32 $0xFFFFF000  }
0x14: {  	[tilespmem:s3], [sflag:$0x2] =	stream.linear.gather [hbm4b:s5+s3], $0x20, $0x38;
	[tilespmem:$0x1080] =	vst v63  }
0x15: {  	_ =	swait.ge [sflag:s4], $0x20  }
0x16: {  	[sflag:s4] =	ssyncset.done $0x0  }
0x17: {  	[sflag:s4] =	ssyncadd.s32 $0xFFFFFFE0  }
0x18: {  	[tilespmem:s7], [sflag:$0x1] =	stream.indirect.gather [hbm4b:s1+s6], $0x80, s3, s6, $0xb8;
	[tilespmem:$0x1080] =	vst v63  }
0x19: {  	_ =	swait.ge [sflag:s8], $0x1000  }
.Ltmp1:
0x1a: {  	[sflag:s8] =	ssyncset.done $0x0;
	(pc) =	sbr.rel @p0 .LBB2_1-.Ltmp1, $4  }
0x1b: {  	[sflag:s8] =	ssyncadd.s32 $0xFFFFF000  }
0x1c: {  	[hbm4b:s9+s3] =	stream.linear.scatter [tilespmem:s7], [sflag:$0x2], $0x1000, $0x38;
	[tilespmem:$0x1080] =	vst v63  }
0x1d: {  	_ =	swait.ge [sflag:s4], $0x1000  }
0x1e: {  	[sflag:s4] =	ssyncset.done $0x0  }
.LBB2_2:
0x1f: {  	[sflag:s4] =	ssyncadd.s32 $0xFFFFF000  }
0x20: {  	_ =	sfence.sel $0x180000  }
0x21: {  	[bflag:$0x0] =	sbarrier.arrive $0xFFFF  }
0x22: {  	p0 =	sne.s32 s0, $0x0;
	_ =	strace $0x90000047  }
0x23: {  	s0 =	sadd.s32 @!p0 $0x100000, s2;
	[bflag:$0x2] =	sbarrier.arrive $0xFFFF  }
0x24: {  	[sflag:s0] =	ssyncadd.tile.s32 @!p0 $0x1;
	_ =	shalt  }
.Lfunc_end2:
_tile_overlayer_lowered:
.L_overlay_start_2:
0x25: {  	(tag) =	ssettag $0x2  }
0x26: {  	s0 =	rddreg [dreg:$0x0];
	s2 =	stileid.u32  }
0x27: {  	s1 =	rddreg [dreg:$0x1];
	p0 =	sne.s32 s2, $0x0  }
0x28: {  	s3 =	rddreg [dreg:$0x2];
	[bflag:$0x3] =	sbarrier.arrive $0xFFFF;
	s2 =	simm.s32 @!p0 $0x1C02  }
0x29: {  	[timem:s3], [sflag:s2] =	dma.local @!p0 [hbm:s0], s1  }
0x2a: {  	s0 =	simm.s32 @!p0 $0x2  }
0x2b: {  	_ =	swait.ge @!p0 [sflag:s0], s1  }
0x2c: {  	s1 =	ssub.s32 @!p0 $0x0, s1;
	[sflag:s0] =	ssyncset.done @!p0 $0x0  }
0x2d: {  	[sflag:s0] =	ssyncadd.s32 @!p0 s1  }
0x2e: {  	[bflag:$0x3] =	sbarrier.arrive $0xFFFF  }
0x2f: {  	_ =	shalt  }

</sc_bundles>
